<compile_context>
chip_gen: v7x
topology: tpu7x:2x2x1
jax: 0.10.2.dev20260603
libtpu: 0.0.44.dev20260713+nightly
codegen_flags: <defaults>
</compile_context>

<pallas_src>
import functools

import jax
import jax.numpy as jnp
from jax import lax
from jax.experimental import pallas as pl
from jax.experimental.pallas import tpu as pltpu
from jax.experimental.pallas import tpu_sc as plsc

_NC = 2
_NS = 16
_NW = _NC * _NS


def _gather_rows_t(tabT_flat, idx, V, D):
    B = idx.shape[0]
    tiles_per_row = _NW // D
    n = B // tiles_per_row
    mesh = plsc.VectorSubcoreMesh(core_axis_name="c", subcore_axis_name="s")

    @functools.partial(
        pl.kernel,
        mesh=mesh,
        out_type=jax.ShapeDtypeStruct((D * B,), jnp.float32),
        scratch_types=[
            pltpu.VMEM((n,), jnp.int32),
            pltpu.VMEM((n,), jnp.float32),
            pltpu.SemaphoreType.DMA,
        ],
        compiler_params=pltpu.CompilerParams(
            use_tc_tiling_on_sc=False,
            needs_layout_passes=False,
        ),
    )
    def gather_kernel(tab_hbm, idx_hbm, out_hbm, idx_v, gath_v, sem):
        wid = lax.axis_index("s") * _NC + lax.axis_index("c")
        k = wid // tiles_per_row
        part = wid % tiles_per_row
        pltpu.sync_copy(idx_hbm.at[pl.ds(part * n, n)], idx_v)
        for c in range(n // 16):
            sl = pl.ds(c * 16, 16)
            idx_v[sl] = idx_v[sl] + k * V
        pltpu.async_copy(tab_hbm.at[idx_v], gath_v, sem).wait()
        pltpu.sync_copy(gath_v, out_hbm.at[pl.ds(k * B + part * n, n)])

    return gather_kernel(tabT_flat, idx).reshape(D, B)


def _matmul_body(wt_ref, ht_ref, b_ref, o_ref):
    ot = lax.dot_general(
        wt_ref[...],
        ht_ref[...],
        dimension_numbers=(((0,), (0,)), ((), ())),
        preferred_element_type=jnp.float32,
    )
    bias = b_ref[...]
    o_ref[...] = ot + lax.transpose(bias, (1, 0))


def _project_t(ht, Wt, b2d, blk):
    D, B = ht.shape
    V = Wt.shape[1]
    return pl.pallas_call(
        _matmul_body,
        grid=(pl.cdiv(V, blk),),
        in_specs=[
            pl.BlockSpec((D, blk), lambda j: (0, j)),
            pl.BlockSpec((D, B), lambda j: (0, 0)),
            pl.BlockSpec((1, blk), lambda j: (0, j)),
        ],
        out_specs=pl.BlockSpec((blk, B), lambda j: (j, 0)),
        out_shape=jax.ShapeDtypeStruct((V, B), jnp.float32),
    )(Wt, ht, b2d)


def kernel(x, emb_table, W, b):
    x = x.astype(jnp.int32)
    V, D = emb_table.shape
    ht = _gather_rows_t(emb_table.T.reshape(-1), x, V, D)
    ot = _project_t(ht, W.T, b.reshape(1, -1), blk=2048)
    return ot.T

# --- scband reference (transcript-rebuilt; emitter-appended) ---
"""Pipeline reference for scband-word2-vec-27109833572580 (READ-ONLY COPY).

The authoritative reference and input builder live on the scoring server;
editing this copy changes nothing except your own understanding.
"""

import jax, jax.numpy as jnp
import numpy as np

EMB_DIM = 16
NUM_CODES = 100000
BATCH = 1024

def setup_inputs(seed: int = 0) -> dict:
    key = jax.random.key(seed)
    k1, k2, k3, k4 = jax.random.split(key, 4)
    x = jax.random.randint(k1, (BATCH,), 0, NUM_CODES, dtype=jnp.int64)
    # nn.Embedding default init: N(0, 1)
    emb_table = jax.random.normal(k2, (NUM_CODES, EMB_DIM), dtype=jnp.float32)
    # nn.Linear default init: U(-1/sqrt(in), 1/sqrt(in))
    bound = 1.0 / np.sqrt(EMB_DIM)
    W = jax.random.uniform(k3, (NUM_CODES, EMB_DIM), minval=-bound, maxval=bound, dtype=jnp.float32)
    b = jax.random.uniform(k4, (NUM_CODES,), minval=-bound, maxval=bound, dtype=jnp.float32)
    return {"x": x, "emb_table": emb_table, "W": W, "b": b}

def reference(x, emb_table, W, b):
    # x = self.emb(x)  -> gather rows of embedding table
    h = jnp.take(emb_table, x, axis=0)            # [B, emb_dim]
    # return self.linear(x) -> h @ W.T + b
    logits = h @ W.T + b                          # [B, num_codes]
    return logits

if __name__ == "__main__":
    import jax
    _d = setup_inputs()
    print(jax.jit(kernel)(*tuple(_d.values())))

</pallas_src>

<mosaic_0001>
#map = affine_map<(d0, d1) -> (0)>
module attributes {stable_mosaic.version = 14 : i64} {
  func.func @gather_kernel(%arg0: i32, %arg1: i32, %arg2: memref<1600000xf32, #tpu.memory_space<hbm>>, %arg3: memref<1024xi32, #tpu.memory_space<hbm>>, %arg4: memref<16384xf32, #tpu.memory_space<hbm>>, %arg5: memref<512xi32, #tpu.memory_space<vmem>>, %arg6: memref<512xf32, #tpu.memory_space<vmem>>, %arg7: memref<!tpu.dma_semaphore, #tpu.memory_space<semaphore_mem>>) attributes {dimension_semantics = [#tpu.dimension_semantics<core_parallel>, #tpu.dimension_semantics<subcore_parallel>], iteration_bounds = array<i64: 2, 16>, scalar_prefetch = 0 : i64, scratch_operands = 3 : i64, tpu.core_type = #tpu.core_type<sc_vector_subcore>, window_params = [{transform_indices = #map}, {transform_indices = #map}, {transform_indices = #map}]} {
    %mul3A = arith.constant 2 : i32
    %mul3A_0 = arith.muli %arg1, %mul3A : i32
    %add3A = arith.addi %mul3A_0, %arg0 : i32
    %jit3A = arith.constant 2 : i32
    %div3A = arith.divsi %add3A, %jit3A : i32
    %sign3A = arith.constant 0 : i32
    %sign3A_1 = arith.cmpi sgt, %add3A, %sign3A : i32
    %sign3A_2 = arith.extui %sign3A_1 : i1 to i32
    %sign3A_3 = arith.constant 0 : i32
    %sign3A_4 = arith.cmpi slt, %add3A, %sign3A_3 : i32
    %sign3A_5 = arith.extui %sign3A_4 : i1 to i32
    %sign3A_6 = arith.subi %sign3A_2, %sign3A_5 : i32
    %sign3A_7 = arith.constant 0 : i32
    %sign3A_8 = arith.cmpi sgt, %jit3A, %sign3A_7 : i32
    %sign3A_9 = arith.extui %sign3A_8 : i1 to i32
    %sign3A_10 = arith.constant 0 : i32
    %sign3A_11 = arith.cmpi slt, %jit3A, %sign3A_10 : i32
    %sign3A_12 = arith.extui %sign3A_11 : i1 to i32
    %sign3A_13 = arith.subi %sign3A_9, %sign3A_12 : i32
    %ne3A = arith.cmpi ne, %sign3A_6, %sign3A_13 : i32
    %rem3A = arith.remsi %add3A, %jit3A : i32
    %ne3A_14 = arith.constant 0 : i32
    %ne3A_15 = arith.cmpi ne, %rem3A, %ne3A_14 : i32
    %and3A = arith.andi %ne3A, %ne3A_15 : i1
    %sub3A = arith.constant 1 : i32
    %sub3A_16 = arith.subi %div3A, %sub3A : i32
    %select_n3A = arith.select %and3A, %sub3A_16, %div3A : i32
    %jit3A_17 = arith.constant 2 : i32
    %eq3A = arith.constant 0 : i32
    %eq3A_18 = arith.cmpi eq, %jit3A_17, %eq3A : i32
    %jit3A_19 = arith.constant 1 : i32
    %select_n3A_20 = arith.select %eq3A_18, %jit3A_19, %jit3A_17 : i32
    %rem3A_21 = arith.remsi %add3A, %select_n3A_20 : i32
    %ne3A_22 = arith.constant 0 : i32
    %ne3A_23 = arith.cmpi ne, %rem3A_21, %ne3A_22 : i32
    %lt3A = arith.constant 0 : i32
    %lt3A_24 = arith.cmpi slt, %rem3A_21, %lt3A : i32
    %lt3A_25 = arith.constant 0 : i32
    %lt3A_26 = arith.cmpi slt, %select_n3A_20, %lt3A_25 : i32
    %ne3A_27 = arith.xori %lt3A_24, %lt3A_26 : i1
    %and3A_28 = arith.andi %ne3A_27, %ne3A_23 : i1
    %add3A_29 = arith.addi %rem3A_21, %select_n3A_20 : i32
    %select_n3A_30 = arith.select %and3A_28, %add3A_29, %rem3A_21 : i32
    %mul3A_31 = arith.constant 512 : i32
    %mul3A_32 = arith.muli %select_n3A_30, %mul3A_31 : i32
    "tpu.region"() ({
      %run_scoped3A = tpu.sem_alloc : memref<!tpu.dma_semaphore, #tpu.memory_space<semaphore_mem>>
      %dma_start3A_294 = tpu.memref_slice %arg3[%mul3A_32] : memref<1024xi32, #tpu.memory_space<hbm>> -> memref<512xi32, #tpu.memory_space<hbm>>
      %dma_start3A_295 = tpu.memref_slice %arg3[%mul3A_32] : memref<1024xi32, #tpu.memory_space<hbm>> -> memref<512xi32, #tpu.memory_space<hbm>>
      tpu.enqueue_dma source(%dma_start3A_295 : memref<512xi32, #tpu.memory_space<hbm>>) target(%arg5 : memref<512xi32, #tpu.memory_space<vmem>>) target_semaphore(%run_scoped3A : memref<!tpu.dma_semaphore, #tpu.memory_space<semaphore_mem>>)
      %dma_wait3A_296 = tpu.memref_slice %arg3[%mul3A_32] : memref<1024xi32, #tpu.memory_space<hbm>> -> memref<512xi32, #tpu.memory_space<hbm>>
      %dma_wait3A_297 = tpu.memref_slice %arg3[%mul3A_32] : memref<1024xi32, #tpu.memory_space<hbm>> -> memref<512xi32, #tpu.memory_space<hbm>>
      tpu.wait_dma2 semaphore(%run_scoped3A : memref<!tpu.dma_semaphore, #tpu.memory_space<semaphore_mem>>) src(%dma_wait3A_297 : memref<512xi32, #tpu.memory_space<hbm>>) dst(%arg5 : memref<512xi32, #tpu.memory_space<vmem>>)
      tpu.yield
    }) : () -> ()
    %get3A = arith.constant 0 : index
    %get3A_33 = tpu.vector_load %arg5[%get3A] {strides = array<i32>} : memref<512xi32, #tpu.memory_space<vmem>>, vector<16xi32>,
    %mul3A_34 = arith.constant 100000 : i32
    %mul3A_35 = arith.muli %select_n3A, %mul3A_34 : i32
    %add3A_36 = vector.broadcast %mul3A_35 : i32 to vector<16xi32>
    %add3A_37 = arith.addi %get3A_33, %add3A_36 : vector<16xi32>
    %swap3A = arith.constant 0 : index
    %swap3A_38 = tpu.vector_load %arg5[%swap3A] {strides = array<i32>} : memref<512xi32, #tpu.memory_space<vmem>>, vector<16xi32>,
    tpu.vector_store %arg5[%swap3A], %add3A_37 {strides = array<i32>} : memref<512xi32, #tpu.memory_space<vmem>>, vector<16xi32>,
    %get3A_39 = arith.constant 16 : index
    %get3A_40 = tpu.vector_load %arg5[%get3A_39] {strides = array<i32>} : memref<512xi32, #tpu.memory_space<vmem>>, vector<16xi32>,
    %mul3A_41 = arith.constant 100000 : i32
    %mul3A_42 = arith.muli %select_n3A, %mul3A_41 : i32
    %add3A_43 = vector.broadcast %mul3A_42 : i32 to vector<16xi32>
    %add3A_44 = arith.addi %get3A_40, %add3A_43 : vector<16xi32>
    %swap3A_45 = arith.constant 16 : index
    %swap3A_46 = tpu.vector_load %arg5[%swap3A_45] {strides = array<i32>} : memref<512xi32, #tpu.memory_space<vmem>>, vector<16xi32>,
    tpu.vector_store %arg5[%swap3A_45], %add3A_44 {strides = array<i32>} : memref<512xi32, #tpu.memory_space<vmem>>, vector<16xi32>,
    %get3A_47 = arith.constant 32 : index
    %get3A_48 = tpu.vector_load %arg5[%get3A_47] {strides = array<i32>} : memref<512xi32, #tpu.memory_space<vmem>>, vector<16xi32>,
    %mul3A_49 = arith.constant 100000 : i32
    %mul3A_50 = arith.muli %select_n3A, %mul3A_49 : i32
    %add3A_51 = vector.broadcast %mul3A_50 : i32 to vector<16xi32>
    %add3A_52 = arith.addi %get3A_48, %add3A_51 : vector<16xi32>
    %swap3A_53 = arith.constant 32 : index
    %swap3A_54 = tpu.vector_load %arg5[%swap3A_53] {strides = array<i32>} : memref<512xi32, #tpu.memory_space<vmem>>, vector<16xi32>,
    tpu.vector_store %arg5[%swap3A_53], %add3A_52 {strides = array<i32>} : memref<512xi32, #tpu.memory_space<vmem>>, vector<16xi32>,
    %get3A_55 = arith.constant 48 : index
    %get3A_56 = tpu.vector_load %arg5[%get3A_55] {strides = array<i32>} : memref<512xi32, #tpu.memory_space<vmem>>, vector<16xi32>,
    %mul3A_57 = arith.constant 100000 : i32
    %mul3A_58 = arith.muli %select_n3A, %mul3A_57 : i32
    %add3A_59 = vector.broadcast %mul3A_58 : i32 to vector<16xi32>
    %add3A_60 = arith.addi %get3A_56, %add3A_59 : vector<16xi32>
    %swap3A_61 = arith.constant 48 : index
    %swap3A_62 = tpu.vector_load %arg5[%swap3A_61] {strides = array<i32>} : memref<512xi32, #tpu.memory_space<vmem>>, vector<16xi32>,
    tpu.vector_store %arg5[%swap3A_61], %add3A_60 {strides = array<i32>} : memref<512xi32, #tpu.memory_space<vmem>>, vector<16xi32>,
    %get3A_63 = arith.constant 64 : index
    %get3A_64 = tpu.vector_load %arg5[%get3A_63] {strides = array<i32>} : memref<512xi32, #tpu.memory_space<vmem>>, vector<16xi32>,
    %mul3A_65 = arith.constant 100000 : i32
    %mul3A_66 = arith.muli %select_n3A, %mul3A_65 : i32
    %add3A_67 = vector.broadcast %mul3A_66 : i32 to vector<16xi32>
    %add3A_68 = arith.addi %get3A_64, %add3A_67 : vector<16xi32>
    %swap3A_69 = arith.constant 64 : index
    %swap3A_70 = tpu.vector_load %arg5[%swap3A_69] {strides = array<i32>} : memref<512xi32, #tpu.memory_space<vmem>>, vector<16xi32>,
    tpu.vector_store %arg5[%swap3A_69], %add3A_68 {strides = array<i32>} : memref<512xi32, #tpu.memory_space<vmem>>, vector<16xi32>,
    %get3A_71 = arith.constant 80 : index
    %get3A_72 = tpu.vector_load %arg5[%get3A_71] {strides = array<i32>} : memref<512xi32, #tpu.memory_space<vmem>>, vector<16xi32>,
    %mul3A_73 = arith.constant 100000 : i32
    %mul3A_74 = arith.muli %select_n3A, %mul3A_73 : i32
    %add3A_75 = vector.broadcast %mul3A_74 : i32 to vector<16xi32>
    %add3A_76 = arith.addi %get3A_72, %add3A_75 : vector<16xi32>
    %swap3A_77 = arith.constant 80 : index
    %swap3A_78 = tpu.vector_load %arg5[%swap3A_77] {strides = array<i32>} : memref<512xi32, #tpu.memory_space<vmem>>, vector<16xi32>,
    tpu.vector_store %arg5[%swap3A_77], %add3A_76 {strides = array<i32>} : memref<512xi32, #tpu.memory_space<vmem>>, vector<16xi32>,
    %get3A_79 = arith.constant 96 : index
    %get3A_80 = tpu.vector_load %arg5[%get3A_79] {strides = array<i32>} : memref<512xi32, #tpu.memory_space<vmem>>, vector<16xi32>,
    %mul3A_81 = arith.constant 100000 : i32
    %mul3A_82 = arith.muli %select_n3A, %mul3A_81 : i32
    %add3A_83 = vector.broadcast %mul3A_82 : i32 to vector<16xi32>
    %add3A_84 = arith.addi %get3A_80, %add3A_83 : vector<16xi32>
    %swap3A_85 = arith.constant 96 : index
    %swap3A_86 = tpu.vector_load %arg5[%swap3A_85] {strides = array<i32>} : memref<512xi32, #tpu.memory_space<vmem>>, vector<16xi32>,
    tpu.vector_store %arg5[%swap3A_85], %add3A_84 {strides = array<i32>} : memref<512xi32, #tpu.memory_space<vmem>>, vector<16xi32>,
    %get3A_87 = arith.constant 112 : index
    %get3A_88 = tpu.vector_load %arg5[%get3A_87] {strides = array<i32>} : memref<512xi32, #tpu.memory_space<vmem>>, vector<16xi32>,
    %mul3A_89 = arith.constant 100000 : i32
    %mul3A_90 = arith.muli %select_n3A, %mul3A_89 : i32
    %add3A_91 = vector.broadcast %mul3A_90 : i32 to vector<16xi32>
    %add3A_92 = arith.addi %get3A_88, %add3A_91 : vector<16xi32>
    %swap3A_93 = arith.constant 112 : index
    %swap3A_94 = tpu.vector_load %arg5[%swap3A_93] {strides = array<i32>} : memref<512xi32, #tpu.memory_space<vmem>>, vector<16xi32>,
    tpu.vector_store %arg5[%swap3A_93], %add3A_92 {strides = array<i32>} : memref<512xi32, #tpu.memory_space<vmem>>, vector<16xi32>,
    %get3A_95 = arith.constant 128 : index
    %get3A_96 = tpu.vector_load %arg5[%get3A_95] {strides = array<i32>} : memref<512xi32, #tpu.memory_space<vmem>>, vector<16xi32>,
    %mul3A_97 = arith.constant 100000 : i32
    %mul3A_98 = arith.muli %select_n3A, %mul3A_97 : i32
    %add3A_99 = vector.broadcast %mul3A_98 : i32 to vector<16xi32>
    %add3A_100 = arith.addi %get3A_96, %add3A_99 : vector<16xi32>
    %swap3A_101 = arith.constant 128 : index
    %swap3A_102 = tpu.vector_load %arg5[%swap3A_101] {strides = array<i32>} : memref<512xi32, #tpu.memory_space<vmem>>, vector<16xi32>,
    tpu.vector_store %arg5[%swap3A_101], %add3A_100 {strides = array<i32>} : memref<512xi32, #tpu.memory_space<vmem>>, vector<16xi32>,
    %get3A_103 = arith.constant 144 : index
    %get3A_104 = tpu.vector_load %arg5[%get3A_103] {strides = array<i32>} : memref<512xi32, #tpu.memory_space<vmem>>, vector<16xi32>,
    %mul3A_105 = arith.constant 100000 : i32
    %mul3A_106 = arith.muli %select_n3A, %mul3A_105 : i32
    %add3A_107 = vector.broadcast %mul3A_106 : i32 to vector<16xi32>
    %add3A_108 = arith.addi %get3A_104, %add3A_107 : vector<16xi32>
    %swap3A_109 = arith.constant 144 : index
    %swap3A_110 = tpu.vector_load %arg5[%swap3A_109] {strides = array<i32>} : memref<512xi32, #tpu.memory_space<vmem>>, vector<16xi32>,
    tpu.vector_store %arg5[%swap3A_109], %add3A_108 {strides = array<i32>} : memref<512xi32, #tpu.memory_space<vmem>>, vector<16xi32>,
    %get3A_111 = arith.constant 160 : index
    %get3A_112 = tpu.vector_load %arg5[%get3A_111] {strides = array<i32>} : memref<512xi32, #tpu.memory_space<vmem>>, vector<16xi32>,
    %mul3A_113 = arith.constant 100000 : i32
    %mul3A_114 = arith.muli %select_n3A, %mul3A_113 : i32
    %add3A_115 = vector.broadcast %mul3A_114 : i32 to vector<16xi32>
    %add3A_116 = arith.addi %get3A_112, %add3A_115 : vector<16xi32>
    %swap3A_117 = arith.constant 160 : index
    %swap3A_118 = tpu.vector_load %arg5[%swap3A_117] {strides = array<i32>} : memref<512xi32, #tpu.memory_space<vmem>>, vector<16xi32>,
    tpu.vector_store %arg5[%swap3A_117], %add3A_116 {strides = array<i32>} : memref<512xi32, #tpu.memory_space<vmem>>, vector<16xi32>,
    %get3A_119 = arith.constant 176 : index
    %get3A_120 = tpu.vector_load %arg5[%get3A_119] {strides = array<i32>} : memref<512xi32, #tpu.memory_space<vmem>>, vector<16xi32>,
    %mul3A_121 = arith.constant 100000 : i32
    %mul3A_122 = arith.muli %select_n3A, %mul3A_121 : i32
    %add3A_123 = vector.broadcast %mul3A_122 : i32 to vector<16xi32>
    %add3A_124 = arith.addi %get3A_120, %add3A_123 : vector<16xi32>
    %swap3A_125 = arith.constant 176 : index
    %swap3A_126 = tpu.vector_load %arg5[%swap3A_125] {strides = array<i32>} : memref<512xi32, #tpu.memory_space<vmem>>, vector<16xi32>,
    tpu.vector_store %arg5[%swap3A_125], %add3A_124 {strides = array<i32>} : memref<512xi32, #tpu.memory_space<vmem>>, vector<16xi32>,
    %get3A_127 = arith.constant 192 : index
    %get3A_128 = tpu.vector_load %arg5[%get3A_127] {strides = array<i32>} : memref<512xi32, #tpu.memory_space<vmem>>, vector<16xi32>,
    %mul3A_129 = arith.constant 100000 : i32
    %mul3A_130 = arith.muli %select_n3A, %mul3A_129 : i32
    %add3A_131 = vector.broadcast %mul3A_130 : i32 to vector<16xi32>
    %add3A_132 = arith.addi %get3A_128, %add3A_131 : vector<16xi32>
    %swap3A_133 = arith.constant 192 : index
    %swap3A_134 = tpu.vector_load %arg5[%swap3A_133] {strides = array<i32>} : memref<512xi32, #tpu.memory_space<vmem>>, vector<16xi32>,
    tpu.vector_store %arg5[%swap3A_133], %add3A_132 {strides = array<i32>} : memref<512xi32, #tpu.memory_space<vmem>>, vector<16xi32>,
    %get3A_135 = arith.constant 208 : index
    %get3A_136 = tpu.vector_load %arg5[%get3A_135] {strides = array<i32>} : memref<512xi32, #tpu.memory_space<vmem>>, vector<16xi32>,
    %mul3A_137 = arith.constant 100000 : i32
    %mul3A_138 = arith.muli %select_n3A, %mul3A_137 : i32
    %add3A_139 = vector.broadcast %mul3A_138 : i32 to vector<16xi32>
    %add3A_140 = arith.addi %get3A_136, %add3A_139 : vector<16xi32>
    %swap3A_141 = arith.constant 208 : index
    %swap3A_142 = tpu.vector_load %arg5[%swap3A_141] {strides = array<i32>} : memref<512xi32, #tpu.memory_space<vmem>>, vector<16xi32>,
    tpu.vector_store %arg5[%swap3A_141], %add3A_140 {strides = array<i32>} : memref<512xi32, #tpu.memory_space<vmem>>, vector<16xi32>,
    %get3A_143 = arith.constant 224 : index
    %get3A_144 = tpu.vector_load %arg5[%get3A_143] {strides = array<i32>} : memref<512xi32, #tpu.memory_space<vmem>>, vector<16xi32>,
    %mul3A_145 = arith.constant 100000 : i32
    %mul3A_146 = arith.muli %select_n3A, %mul3A_145 : i32
    %add3A_147 = vector.broadcast %mul3A_146 : i32 to vector<16xi32>
    %add3A_148 = arith.addi %get3A_144, %add3A_147 : vector<16xi32>
    %swap3A_149 = arith.constant 224 : index
    %swap3A_150 = tpu.vector_load %arg5[%swap3A_149] {strides = array<i32>} : memref<512xi32, #tpu.memory_space<vmem>>, vector<16xi32>,
    tpu.vector_store %arg5[%swap3A_149], %add3A_148 {strides = array<i32>} : memref<512xi32, #tpu.memory_space<vmem>>, vector<16xi32>,
    %get3A_151 = arith.constant 240 : index
    %get3A_152 = tpu.vector_load %arg5[%get3A_151] {strides = array<i32>} : memref<512xi32, #tpu.memory_space<vmem>>, vector<16xi32>,
    %mul3A_153 = arith.constant 100000 : i32
    %mul3A_154 = arith.muli %select_n3A, %mul3A_153 : i32
    %add3A_155 = vector.broadcast %mul3A_154 : i32 to vector<16xi32>
    %add3A_156 = arith.addi %get3A_152, %add3A_155 : vector<16xi32>
    %swap3A_157 = arith.constant 240 : index
    %swap3A_158 = tpu.vector_load %arg5[%swap3A_157] {strides = array<i32>} : memref<512xi32, #tpu.memory_space<vmem>>, vector<16xi32>,
    tpu.vector_store %arg5[%swap3A_157], %add3A_156 {strides = array<i32>} : memref<512xi32, #tpu.memory_space<vmem>>, vector<16xi32>,
    %get3A_159 = arith.constant 256 : index
    %get3A_160 = tpu.vector_load %arg5[%get3A_159] {strides = array<i32>} : memref<512xi32, #tpu.memory_space<vmem>>, vector<16xi32>,
    %mul3A_161 = arith.constant 100000 : i32
    %mul3A_162 = arith.muli %select_n3A, %mul3A_161 : i32
    %add3A_163 = vector.broadcast %mul3A_162 : i32 to vector<16xi32>
    %add3A_164 = arith.addi %get3A_160, %add3A_163 : vector<16xi32>
    %swap3A_165 = arith.constant 256 : index
    %swap3A_166 = tpu.vector_load %arg5[%swap3A_165] {strides = array<i32>} : memref<512xi32, #tpu.memory_space<vmem>>, vector<16xi32>,
    tpu.vector_store %arg5[%swap3A_165], %add3A_164 {strides = array<i32>} : memref<512xi32, #tpu.memory_space<vmem>>, vector<16xi32>,
    %get3A_167 = arith.constant 272 : index
    %get3A_168 = tpu.vector_load %arg5[%get3A_167] {strides = array<i32>} : memref<512xi32, #tpu.memory_space<vmem>>, vector<16xi32>,
    %mul3A_169 = arith.constant 100000 : i32
    %mul3A_170 = arith.muli %select_n3A, %mul3A_169 : i32
    %add3A_171 = vector.broadcast %mul3A_170 : i32 to vector<16xi32>
    %add3A_172 = arith.addi %get3A_168, %add3A_171 : vector<16xi32>
    %swap3A_173 = arith.constant 272 : index
    %swap3A_174 = tpu.vector_load %arg5[%swap3A_173] {strides = array<i32>} : memref<512xi32, #tpu.memory_space<vmem>>, vector<16xi32>,
    tpu.vector_store %arg5[%swap3A_173], %add3A_172 {strides = array<i32>} : memref<512xi32, #tpu.memory_space<vmem>>, vector<16xi32>,
    %get3A_175 = arith.constant 288 : index
    %get3A_176 = tpu.vector_load %arg5[%get3A_175] {strides = array<i32>} : memref<512xi32, #tpu.memory_space<vmem>>, vector<16xi32>,
    %mul3A_177 = arith.constant 100000 : i32
    %mul3A_178 = arith.muli %select_n3A, %mul3A_177 : i32
    %add3A_179 = vector.broadcast %mul3A_178 : i32 to vector<16xi32>
    %add3A_180 = arith.addi %get3A_176, %add3A_179 : vector<16xi32>
    %swap3A_181 = arith.constant 288 : index
    %swap3A_182 = tpu.vector_load %arg5[%swap3A_181] {strides = array<i32>} : memref<512xi32, #tpu.memory_space<vmem>>, vector<16xi32>,
    tpu.vector_store %arg5[%swap3A_181], %add3A_180 {strides = array<i32>} : memref<512xi32, #tpu.memory_space<vmem>>, vector<16xi32>,
    %get3A_183 = arith.constant 304 : index
    %get3A_184 = tpu.vector_load %arg5[%get3A_183] {strides = array<i32>} : memref<512xi32, #tpu.memory_space<vmem>>, vector<16xi32>,
    %mul3A_185 = arith.constant 100000 : i32
    %mul3A_186 = arith.muli %select_n3A, %mul3A_185 : i32
    %add3A_187 = vector.broadcast %mul3A_186 : i32 to vector<16xi32>
    %add3A_188 = arith.addi %get3A_184, %add3A_187 : vector<16xi32>
    %swap3A_189 = arith.constant 304 : index
    %swap3A_190 = tpu.vector_load %arg5[%swap3A_189] {strides = array<i32>} : memref<512xi32, #tpu.memory_space<vmem>>, vector<16xi32>,
    tpu.vector_store %arg5[%swap3A_189], %add3A_188 {strides = array<i32>} : memref<512xi32, #tpu.memory_space<vmem>>, vector<16xi32>,
    %get3A_191 = arith.constant 320 : index
    %get3A_192 = tpu.vector_load %arg5[%get3A_191] {strides = array<i32>} : memref<512xi32, #tpu.memory_space<vmem>>, vector<16xi32>,
    %mul3A_193 = arith.constant 100000 : i32
    %mul3A_194 = arith.muli %select_n3A, %mul3A_193 : i32
    %add3A_195 = vector.broadcast %mul3A_194 : i32 to vector<16xi32>
    %add3A_196 = arith.addi %get3A_192, %add3A_195 : vector<16xi32>
    %swap3A_197 = arith.constant 320 : index
    %swap3A_198 = tpu.vector_load %arg5[%swap3A_197] {strides = array<i32>} : memref<512xi32, #tpu.memory_space<vmem>>, vector<16xi32>,
    tpu.vector_store %arg5[%swap3A_197], %add3A_196 {strides = array<i32>} : memref<512xi32, #tpu.memory_space<vmem>>, vector<16xi32>,
    %get3A_199 = arith.constant 336 : index
    %get3A_200 = tpu.vector_load %arg5[%get3A_199] {strides = array<i32>} : memref<512xi32, #tpu.memory_space<vmem>>, vector<16xi32>,
    %mul3A_201 = arith.constant 100000 : i32
    %mul3A_202 = arith.muli %select_n3A, %mul3A_201 : i32
    %add3A_203 = vector.broadcast %mul3A_202 : i32 to vector<16xi32>
    %add3A_204 = arith.addi %get3A_200, %add3A_203 : vector<16xi32>
    %swap3A_205 = arith.constant 336 : index
    %swap3A_206 = tpu.vector_load %arg5[%swap3A_205] {strides = array<i32>} : memref<512xi32, #tpu.memory_space<vmem>>, vector<16xi32>,
    tpu.vector_store %arg5[%swap3A_205], %add3A_204 {strides = array<i32>} : memref<512xi32, #tpu.memory_space<vmem>>, vector<16xi32>,
    %get3A_207 = arith.constant 352 : index
    %get3A_208 = tpu.vector_load %arg5[%get3A_207] {strides = array<i32>} : memref<512xi32, #tpu.memory_space<vmem>>, vector<16xi32>,
    %mul3A_209 = arith.constant 100000 : i32
    %mul3A_210 = arith.muli %select_n3A, %mul3A_209 : i32
    %add3A_211 = vector.broadcast %mul3A_210 : i32 to vector<16xi32>
    %add3A_212 = arith.addi %get3A_208, %add3A_211 : vector<16xi32>
    %swap3A_213 = arith.constant 352 : index
    %swap3A_214 = tpu.vector_load %arg5[%swap3A_213] {strides = array<i32>} : memref<512xi32, #tpu.memory_space<vmem>>, vector<16xi32>,
    tpu.vector_store %arg5[%swap3A_213], %add3A_212 {strides = array<i32>} : memref<512xi32, #tpu.memory_space<vmem>>, vector<16xi32>,
    %get3A_215 = arith.constant 368 : index
    %get3A_216 = tpu.vector_load %arg5[%get3A_215] {strides = array<i32>} : memref<512xi32, #tpu.memory_space<vmem>>, vector<16xi32>,
    %mul3A_217 = arith.constant 100000 : i32
    %mul3A_218 = arith.muli %select_n3A, %mul3A_217 : i32
    %add3A_219 = vector.broadcast %mul3A_218 : i32 to vector<16xi32>
    %add3A_220 = arith.addi %get3A_216, %add3A_219 : vector<16xi32>
    %swap3A_221 = arith.constant 368 : index
    %swap3A_222 = tpu.vector_load %arg5[%swap3A_221] {strides = array<i32>} : memref<512xi32, #tpu.memory_space<vmem>>, vector<16xi32>,
    tpu.vector_store %arg5[%swap3A_221], %add3A_220 {strides = array<i32>} : memref<512xi32, #tpu.memory_space<vmem>>, vector<16xi32>,
    %get3A_223 = arith.constant 384 : index
    %get3A_224 = tpu.vector_load %arg5[%get3A_223] {strides = array<i32>} : memref<512xi32, #tpu.memory_space<vmem>>, vector<16xi32>,
    %mul3A_225 = arith.constant 100000 : i32
    %mul3A_226 = arith.muli %select_n3A, %mul3A_225 : i32
    %add3A_227 = vector.broadcast %mul3A_226 : i32 to vector<16xi32>
    %add3A_228 = arith.addi %get3A_224, %add3A_227 : vector<16xi32>
    %swap3A_229 = arith.constant 384 : index
    %swap3A_230 = tpu.vector_load %arg5[%swap3A_229] {strides = array<i32>} : memref<512xi32, #tpu.memory_space<vmem>>, vector<16xi32>,
    tpu.vector_store %arg5[%swap3A_229], %add3A_228 {strides = array<i32>} : memref<512xi32, #tpu.memory_space<vmem>>, vector<16xi32>,
    %get3A_231 = arith.constant 400 : index
    %get3A_232 = tpu.vector_load %arg5[%get3A_231] {strides = array<i32>} : memref<512xi32, #tpu.memory_space<vmem>>, vector<16xi32>,
    %mul3A_233 = arith.constant 100000 : i32
    %mul3A_234 = arith.muli %select_n3A, %mul3A_233 : i32
    %add3A_235 = vector.broadcast %mul3A_234 : i32 to vector<16xi32>
    %add3A_236 = arith.addi %get3A_232, %add3A_235 : vector<16xi32>
    %swap3A_237 = arith.constant 400 : index
    %swap3A_238 = tpu.vector_load %arg5[%swap3A_237] {strides = array<i32>} : memref<512xi32, #tpu.memory_space<vmem>>, vector<16xi32>,
    tpu.vector_store %arg5[%swap3A_237], %add3A_236 {strides = array<i32>} : memref<512xi32, #tpu.memory_space<vmem>>, vector<16xi32>,
    %get3A_239 = arith.constant 416 : index
    %get3A_240 = tpu.vector_load %arg5[%get3A_239] {strides = array<i32>} : memref<512xi32, #tpu.memory_space<vmem>>, vector<16xi32>,
    %mul3A_241 = arith.constant 100000 : i32
    %mul3A_242 = arith.muli %select_n3A, %mul3A_241 : i32
    %add3A_243 = vector.broadcast %mul3A_242 : i32 to vector<16xi32>
    %add3A_244 = arith.addi %get3A_240, %add3A_243 : vector<16xi32>
    %swap3A_245 = arith.constant 416 : index
    %swap3A_246 = tpu.vector_load %arg5[%swap3A_245] {strides = array<i32>} : memref<512xi32, #tpu.memory_space<vmem>>, vector<16xi32>,
    tpu.vector_store %arg5[%swap3A_245], %add3A_244 {strides = array<i32>} : memref<512xi32, #tpu.memory_space<vmem>>, vector<16xi32>,
    %get3A_247 = arith.constant 432 : index
    %get3A_248 = tpu.vector_load %arg5[%get3A_247] {strides = array<i32>} : memref<512xi32, #tpu.memory_space<vmem>>, vector<16xi32>,
    %mul3A_249 = arith.constant 100000 : i32
    %mul3A_250 = arith.muli %select_n3A, %mul3A_249 : i32
    %add3A_251 = vector.broadcast %mul3A_250 : i32 to vector<16xi32>
    %add3A_252 = arith.addi %get3A_248, %add3A_251 : vector<16xi32>
    %swap3A_253 = arith.constant 432 : index
    %swap3A_254 = tpu.vector_load %arg5[%swap3A_253] {strides = array<i32>} : memref<512xi32, #tpu.memory_space<vmem>>, vector<16xi32>,
    tpu.vector_store %arg5[%swap3A_253], %add3A_252 {strides = array<i32>} : memref<512xi32, #tpu.memory_space<vmem>>, vector<16xi32>,
    %get3A_255 = arith.constant 448 : index
    %get3A_256 = tpu.vector_load %arg5[%get3A_255] {strides = array<i32>} : memref<512xi32, #tpu.memory_space<vmem>>, vector<16xi32>,
    %mul3A_257 = arith.constant 100000 : i32
    %mul3A_258 = arith.muli %select_n3A, %mul3A_257 : i32
    %add3A_259 = vector.broadcast %mul3A_258 : i32 to vector<16xi32>
    %add3A_260 = arith.addi %get3A_256, %add3A_259 : vector<16xi32>
    %swap3A_261 = arith.constant 448 : index
    %swap3A_262 = tpu.vector_load %arg5[%swap3A_261] {strides = array<i32>} : memref<512xi32, #tpu.memory_space<vmem>>, vector<16xi32>,
    tpu.vector_store %arg5[%swap3A_261], %add3A_260 {strides = array<i32>} : memref<512xi32, #tpu.memory_space<vmem>>, vector<16xi32>,
    %get3A_263 = arith.constant 464 : index
    %get3A_264 = tpu.vector_load %arg5[%get3A_263] {strides = array<i32>} : memref<512xi32, #tpu.memory_space<vmem>>, vector<16xi32>,
    %mul3A_265 = arith.constant 100000 : i32
    %mul3A_266 = arith.muli %select_n3A, %mul3A_265 : i32
    %add3A_267 = vector.broadcast %mul3A_266 : i32 to vector<16xi32>
    %add3A_268 = arith.addi %get3A_264, %add3A_267 : vector<16xi32>
    %swap3A_269 = arith.constant 464 : index
    %swap3A_270 = tpu.vector_load %arg5[%swap3A_269] {strides = array<i32>} : memref<512xi32, #tpu.memory_space<vmem>>, vector<16xi32>,
    tpu.vector_store %arg5[%swap3A_269], %add3A_268 {strides = array<i32>} : memref<512xi32, #tpu.memory_space<vmem>>, vector<16xi32>,
    %get3A_271 = arith.constant 480 : index
    %get3A_272 = tpu.vector_load %arg5[%get3A_271] {strides = array<i32>} : memref<512xi32, #tpu.memory_space<vmem>>, vector<16xi32>,
    %mul3A_273 = arith.constant 100000 : i32
    %mul3A_274 = arith.muli %select_n3A, %mul3A_273 : i32
    %add3A_275 = vector.broadcast %mul3A_274 : i32 to vector<16xi32>
    %add3A_276 = arith.addi %get3A_272, %add3A_275 : vector<16xi32>
    %swap3A_277 = arith.constant 480 : index
    %swap3A_278 = tpu.vector_load %arg5[%swap3A_277] {strides = array<i32>} : memref<512xi32, #tpu.memory_space<vmem>>, vector<16xi32>,
    tpu.vector_store %arg5[%swap3A_277], %add3A_276 {strides = array<i32>} : memref<512xi32, #tpu.memory_space<vmem>>, vector<16xi32>,
    %get3A_279 = arith.constant 496 : index
    %get3A_280 = tpu.vector_load %arg5[%get3A_279] {strides = array<i32>} : memref<512xi32, #tpu.memory_space<vmem>>, vector<16xi32>,
    %mul3A_281 = arith.constant 100000 : i32
    %mul3A_282 = arith.muli %select_n3A, %mul3A_281 : i32
    %add3A_283 = vector.broadcast %mul3A_282 : i32 to vector<16xi32>
    %add3A_284 = arith.addi %get3A_280, %add3A_283 : vector<16xi32>
    %swap3A_285 = arith.constant 496 : index
    %swap3A_286 = tpu.vector_load %arg5[%swap3A_285] {strides = array<i32>} : memref<512xi32, #tpu.memory_space<vmem>>, vector<16xi32>,
    tpu.vector_store %arg5[%swap3A_285], %add3A_284 {strides = array<i32>} : memref<512xi32, #tpu.memory_space<vmem>>, vector<16xi32>,
    %dma_start3A = arith.constant 0 : i32
    %dma_start3A_287 = tpu.memref_slice %arg2[%dma_start3A] : memref<1600000xf32, #tpu.memory_space<hbm>> -> memref<1600000xf32, #tpu.memory_space<hbm>>
    tpu.enqueue_indirect_dma source(%dma_start3A_287 : memref<1600000xf32, #tpu.memory_space<hbm>>) target(%arg6 : memref<512xf32, #tpu.memory_space<vmem>>) offsets(%arg5 : memref<512xi32, #tpu.memory_space<vmem>>) semaphore(%arg7 : memref<!tpu.dma_semaphore, #tpu.memory_space<semaphore_mem>>)
    %dma_wait3A = arith.constant 0 : i32
    %dma_wait3A_288 = tpu.memref_slice %arg2[%dma_wait3A] : memref<1600000xf32, #tpu.memory_space<hbm>> -> memref<1600000xf32, #tpu.memory_space<hbm>>
    tpu.wait_indirect_dma semaphore(%arg7 : memref<!tpu.dma_semaphore, #tpu.memory_space<semaphore_mem>>) src(%dma_wait3A_288 : memref<1600000xf32, #tpu.memory_space<hbm>>) dst(%arg6 : memref<512xf32, #tpu.memory_space<vmem>>)
    %mul3A_289 = arith.constant 1024 : i32
    %mul3A_290 = arith.muli %select_n3A, %mul3A_289 : i32
    %mul3A_291 = arith.constant 512 : i32
    %mul3A_292 = arith.muli %select_n3A_30, %mul3A_291 : i32
    %add3A_293 = arith.addi %mul3A_290, %mul3A_292 : i32
    "tpu.region"() ({
      %run_scoped3A = tpu.sem_alloc : memref<!tpu.dma_semaphore, #tpu.memory_space<semaphore_mem>>
      %dma_start3A_294 = tpu.memref_slice %arg4[%add3A_293] : memref<16384xf32, #tpu.memory_space<hbm>> -> memref<512xf32, #tpu.memory_space<hbm>>
      %dma_start3A_295 = tpu.memref_slice %arg4[%add3A_293] : memref<16384xf32, #tpu.memory_space<hbm>> -> memref<512xf32, #tpu.memory_space<hbm>>
      tpu.enqueue_dma source(%arg6 : memref<512xf32, #tpu.memory_space<vmem>>) target(%dma_start3A_295 : memref<512xf32, #tpu.memory_space<hbm>>) target_semaphore(%run_scoped3A : memref<!tpu.dma_semaphore, #tpu.memory_space<semaphore_mem>>)
      %dma_wait3A_296 = tpu.memref_slice %arg4[%add3A_293] : memref<16384xf32, #tpu.memory_space<hbm>> -> memref<512xf32, #tpu.memory_space<hbm>>
      %dma_wait3A_297 = tpu.memref_slice %arg4[%add3A_293] : memref<16384xf32, #tpu.memory_space<hbm>> -> memref<512xf32, #tpu.memory_space<hbm>>
      tpu.wait_dma2 semaphore(%run_scoped3A : memref<!tpu.dma_semaphore, #tpu.memory_space<semaphore_mem>>) src(%arg6 : memref<512xf32, #tpu.memory_space<vmem>>) dst(%dma_wait3A_297 : memref<512xf32, #tpu.memory_space<hbm>>)
      tpu.yield
    }) : () -> ()
    return
  }
}

module attributes {stable_mosaic.version = 14 : i64} {
  func.func @_matmul_body(%arg0: i32, %arg1: memref<16x2048xf32, #tpu.memory_space<vmem>>, %arg2: memref<16x1024xf32, #tpu.memory_space<vmem>>, %arg3: memref<1x2048xf32, #tpu.memory_space<vmem>>, %arg4: memref<2048x1024xf32, #tpu.memory_space<vmem>>) attributes {dimension_semantics = [#tpu.dimension_semantics<arbitrary>], iteration_bounds = array<i64: 49>, scalar_prefetch = 0 : i64, scratch_operands = 0 : i64, tpu.core_type = #tpu.core_type<tc>, window_params = [{transform_indices = @transform_0, window_bounds = array<i64: 16, 2048>}, {pipeline_mode = #tpu.pipeline_mode<synchronous>, transform_indices = @transform_1, window_bounds = array<i64: 16, 1024>}, {transform_indices = @transform_2, window_bounds = array<i64: 1, 2048>}, {transform_indices = @transform_3, window_bounds = array<i64: 2048, 1024>}]} {
    %get3A = arith.constant 0 : index
    %get3A_0 = arith.constant 0 : index
    %get3A_1 = vector.load %arg1[%get3A, %get3A_0] : memref<16x2048xf32, #tpu.memory_space<vmem>>, vector<16x2048xf32>
    %get3A_2 = arith.constant 0 : index
    %get3A_3 = arith.constant 0 : index
    %get3A_4 = vector.load %arg2[%get3A_2, %get3A_3] : memref<16x1024xf32, #tpu.memory_space<vmem>>, vector<16x1024xf32>
    %dot_general3A = arith.constant dense<0.000000e+00> : vector<2048x1024xf32>
    %dot_general3A_5 = tpu.matmul %get3A_1, %get3A_4, %dot_general3A {dimension_numbers = #tpu.dot_dimension_numbers<[0], [0], [1], [1], [0, 1, 1, 1], [], []>, transpose_lhs_hint = false} : vector<16x2048xf32>, vector<16x1024xf32>, vector<2048x1024xf32> -> vector<2048x1024xf32>
    %get3A_6 = arith.constant 0 : index
    %get3A_7 = arith.constant 0 : index
    %get3A_8 = vector.load %arg3[%get3A_6, %get3A_7] : memref<1x2048xf32, #tpu.memory_space<vmem>>, vector<1x2048xf32>
    %transpose3A = tpu.transpose %get3A_8, [1, 0] : vector<1x2048xf32> -> vector<2048x1xf32>
    %add3A = vector.broadcast %transpose3A : vector<2048x1xf32> to vector<2048x1024xf32>
    %add3A_9 = arith.addf %dot_general3A_5, %add3A : vector<2048x1024xf32>
    %swap3A = arith.constant 0 : index
    %swap3A_10 = arith.constant 0 : index
    %swap3A_11 = vector.load %arg4[%swap3A, %swap3A_10] : memref<2048x1024xf32, #tpu.memory_space<vmem>>, vector<2048x1024xf32>
    tpu.vector_store %arg4[%swap3A, %swap3A_10], %add3A_9 {strides = array<i32>} : memref<2048x1024xf32, #tpu.memory_space<vmem>>, vector<2048x1024xf32>,
    return
  }
  func.func @transform_0(%arg0: i32) -> (i32, i32) {
    %c0_i32 = arith.constant 0 : i32
    %c0_i32_0 = arith.constant 0 : i32
    return %c0_i32, %arg0 : i32, i32
  }
  func.func @transform_1(%arg0: i32) -> (i32, i32) {
    %c0_i32 = arith.constant 0 : i32
    %c0_i32_0 = arith.constant 0 : i32
    %c0_i32_1 = arith.constant 0 : i32
    return %c0_i32, %c0_i32_0 : i32, i32
  }
  func.func @transform_2(%arg0: i32) -> (i32, i32) {
    %c0_i32 = arith.constant 0 : i32
    %c0_i32_0 = arith.constant 0 : i32
    return %c0_i32, %arg0 : i32, i32
  }
  func.func @transform_3(%arg0: i32) -> (i32, i32) {
    %c0_i32 = arith.constant 0 : i32
    %c0_i32_0 = arith.constant 0 : i32
    return %arg0, %c0_i32 : i32, i32
  }
}

</mosaic_0001>

<sc_bundles>
// kernel: kernel.4.cloned.1.call-start
scs
__scs_entry_jumppad:
0x0: {  	(pc) =	sbr.rel $0x88, $3  }
0x1: {  	(tag) =	ssettag $0x0;
	lr =	simm.s32 $0x1  }
0x2: {  	[smem:$0x3F9D] =	sst lr;
	_ =	strace $0xD0000000  }
0x3: {  	_ = 	snop  }
0x4: {  	_ = 	snop  }
0x5: {  	_ = 	snop  }
0x6: {  	_ = 	snop  }
0x7: {  	_ = 	snop  }
__scs_overlays_trampoline_lowered:
0x8: {  	[smem:$0x3FAC] =	sst s0  }
0x9: {  	[smem:$0x3FAD] =	sst s1  }
0xa: {  	[smem:$0x3FAE] =	sst s2  }
0xb: {  	[smem:$0x3FAF] =	sst s3  }
0xc: {  	[smem:$0x3FB0] =	sst s4  }
0xd: {  	[smem:$0x3FB1] =	sst s5  }
0xe: {  	[smem:$0x3FB2] =	sst s6  }
0xf: {  	[smem:$0x3FB3] =	sst s7  }
0x10: {  	[smem:$0x3FB4] =	sst s8  }
0x11: {  	[smem:$0x3FB5] =	sst s9;
	s0 =	simm.s32 @!p0 $0x0  }
0x12: {  	s1 =	sld [smem:$0x3F9B];
	s0 =	simm.s32 @p0 $0x1  }
0x13: {  	[smem:$0x3FB6] =	sst s0;
	s0 =	simm.s32 @!p1 $0x0  }
0x14: {  	s2 =	sld [smem:$0x3F9A];
	s0 =	simm.s32 @p1 $0x1  }
0x15: {  	[smem:$0x3FB7] =	sst s0;
	s0 =	simm.s32 @!p2 $0x0  }
0x16: {  	s3 =	sld [smem:$0x3FDB];
	s0 =	simm.s32 @p2 $0x1  }
0x17: {  	s4 =	simm.s32 $0x1BF5;
	[smem:$0x3FB9] =	sst s0  }
0x18: {  	s0 =	sld [smem:$0x3F9C];
	_ =	swait.ge [sflag:s4], $0x0  }
0x19: {  	s7 =	sld [smem:$0x3F9D]  }
0x1a: {  	s8 =	sadd.s32 $0xFFFFE003, lr  }
0x1b: {  	s9 =	sadd.s32 $0xFFFFFEF7, lr;
	s5 =	simm.s32 $0xFFFFFFFF;
	p2 =	slt.u32 s8, $0xFFFFF086  }
0x1c: {  	p1 =	slt.u32 s9, $0xF7A;
	s5 =	simm.s32 @!p2 $0x0  }
0x1d: {  	s5 =	simm.s32 @p1 $0x1;
	p0 =	seq.s32 s7, s2  }
0x1e: {  	s7 =	smul.u32 @!p0 $0xF7A, s2;
	p2 =	seq.s32 @!p0 s5, $0x0  }
0x1f: {  	s9 =	smul.u32 $0xF7A, s1;
	s8 =	simm.s32 @!p0 $0x1BF5;
	p2 =	por !p2, p0  }
0x20: {  	[sflag:s8] =	ssyncset.s32 @!p0 $0xFFFFF086;
	s6 =	sadd.s32 @!p0 s3, s7;
	s7 =	simm.s32 @!p0 $0x108  }
0x21: {  	s3 =	sadd.s32 s3, s9;
	s6 =	sadd.s32 @!p0 $0x88, s6;
	s7 =	simm.s32 @p2 $0x1082  }
0x22: {  	[simem:s7], [sflag:s8] =	dma.local @!p0 [hbm:s6], $0xF7A  }
0x23: {  	s9 =	sor.u32 $0xD0000000, s2;
	s6 =	simm.s32 $0x108;
	_ =	swait.ge @!p0 [sflag:s8], $0x0  }
0x24: {  	s3 =	sadd.s32 $0x88, s3;
	s6 =	simm.s32 @!p1 $0x1082;
	[sflag:s4] =	ssyncset.s32 $0xFFFFF086  }
0x25: {  	[simem:s6], [sflag:s4] =	dma.local [hbm:s3], $0xF7A  }
0x26: {  	[smem:$0x3F9D] =	sst s1;
	(tag) =	ssettag s2;
	_ =	strace s9  }
0x27: {  	s1 =	sld [smem:$0x3FAD]  }
0x28: {  	s2 =	sld [smem:$0x3FAE]  }
0x29: {  	s4 =	sld [smem:$0x3FB0]  }
0x2a: {  	p0 =	seq.s32 s5, $0x0;
	s5 =	sld [smem:$0x3FB1]  }
0x2b: {  	s6 =	sld [smem:$0x3FB2]  }
0x2c: {  	s7 =	sld [smem:$0x3FB3]  }
0x2d: {  	s3 =	simm.s32 $0x108;
	s8 =	sld [smem:$0x3FB4]  }
0x2e: {  	s3 =	simm.s32 @!p0 $0x1082;
	s9 =	sld [smem:$0x3FB5]  }
0x2f: {  	lr =	sadd.s32 s0, s3;
	s0 =	sld [smem:$0x3FAC]  }
0x30: {  	s3 =	sld [smem:$0x3FAF]  }
0x31: {  	[smem:$0x3FB8] =	sst s10  }
0x32: {  	s10 =	sld [smem:$0x3FB6];
	_ =	sdelay $0x3  }
0x33: {  	p0 =	seq.s32 s10, $0x1;
	s10 =	sld [smem:$0x3FB8];
	_ =	sdelay $0x3  }
0x34: {  	[smem:$0x3FB8] =	sst s10  }
0x35: {  	s10 =	sld [smem:$0x3FB7];
	_ =	sdelay $0x3  }
0x36: {  	p1 =	seq.s32 s10, $0x1;
	s10 =	sld [smem:$0x3FB8];
	_ =	sdelay $0x3  }
0x37: {  	[smem:$0x3FB8] =	sst s10  }
0x38: {  	s10 =	sld [smem:$0x3FB9]  }
0x39: {  	_ = 	snop;
	(pc) =	sbr.ind lr, $3  }
0x3a: {  	_ = 	snop  }
0x3b: {  	_ = 	snop  }
0x3c: {  	p2 =	seq.s32 s10, $0x1;
	s10 =	sld [smem:$0x3FB8]  }
0x3d: {  	_ =	shalt  }
0x3e: {  	_ =	shalt  }
0x3f: {  	_ =	shalt  }
0x40: {  	_ =	shalt  }
0x41: {  	_ =	shalt  }
0x42: {  	_ =	shalt  }
0x43: {  	_ =	shalt  }
0x44: {  	_ =	shalt  }
0x45: {  	_ =	shalt  }
0x46: {  	_ =	shalt  }
0x47: {  	_ =	shalt  }
0x48: {  	_ =	shalt  }
0x49: {  	_ =	shalt  }
0x4a: {  	_ =	shalt  }
0x4b: {  	_ =	shalt  }
0x4c: {  	_ =	shalt  }
0x4d: {  	_ =	shalt  }
0x4e: {  	_ =	shalt  }
0x4f: {  	_ =	shalt  }
0x50: {  	_ =	shalt  }
0x51: {  	_ =	shalt  }
0x52: {  	_ =	shalt  }
0x53: {  	_ =	shalt  }
0x54: {  	_ =	shalt  }
0x55: {  	_ =	shalt  }
0x56: {  	_ =	shalt  }
0x57: {  	_ =	shalt  }
0x58: {  	_ =	shalt  }
0x59: {  	_ =	shalt  }
0x5a: {  	_ =	shalt  }
0x5b: {  	_ =	shalt  }
0x5c: {  	_ =	shalt  }
0x5d: {  	_ =	shalt  }
0x5e: {  	_ =	shalt  }
0x5f: {  	_ =	shalt  }
0x60: {  	_ =	shalt  }
0x61: {  	_ =	shalt  }
0x62: {  	_ =	shalt  }
0x63: {  	_ =	shalt  }
0x64: {  	_ =	shalt  }
0x65: {  	_ =	shalt  }
0x66: {  	_ =	shalt  }
0x67: {  	_ =	shalt  }
0x68: {  	_ =	shalt  }
0x69: {  	_ =	shalt  }
0x6a: {  	_ =	shalt  }
0x6b: {  	_ =	shalt  }
0x6c: {  	_ =	shalt  }
0x6d: {  	_ =	shalt  }
0x6e: {  	_ =	shalt  }
0x6f: {  	_ =	shalt  }
0x70: {  	_ =	shalt  }
0x71: {  	_ =	shalt  }
0x72: {  	_ =	shalt  }
0x73: {  	_ =	shalt  }
0x74: {  	_ =	shalt  }
0x75: {  	_ =	shalt  }
0x76: {  	_ =	shalt  }
0x77: {  	_ =	shalt  }
0x78: {  	_ =	shalt  }
0x79: {  	_ =	shalt  }
0x7a: {  	_ =	shalt  }
0x7b: {  	_ =	shalt  }
0x7c: {  	_ =	shalt  }
0x7d: {  	_ =	shalt  }
0x7e: {  	_ =	shalt  }
0x7f: {  	_ =	shalt  }
0x80: {  	_ =	shalt  }
0x81: {  	_ =	shalt  }
0x82: {  	_ =	shalt  }
0x83: {  	_ =	shalt  }
0x84: {  	_ =	shalt  }
0x85: {  	_ =	shalt  }
0x86: {  	_ =	shalt  }
0x87: {  	_ =	shalt  }
.Lfunc_end0:
.L_simem_size_0:
called_computation_lowered:
.L_overlay_start_0:
0x88: {  	s2 =	sld [smem:$0x3FD9]  }
0x89: {  	s3 =	sld [smem:$0x3FFE];
	_ =	sdelay $0x1  }
0x8a: {  	s1 =	srdreg.scid  }
0x8b: {  	s0 =	sand.u32 $0x1, s1  }
0x8c: {  	s17 =	sshll.u32 s0, $0xA;
	s2 =	sadd.s32 s3, s2  }
0x8d: {  	s2 =	sadd.s32 s2, s17  }
0x8e: {  	[smem:$0x3FC4] =	sst s2  }
0x8f: {  	_ = 	snop  }
0x90: {  	s2 =	sld [smem:$0x3FC9]  }
0x91: {  	s18 =	sld [smem:$0x3FD0];
	(tm) =	ssettm $0x1  }
0x92: {  	s4 =	sld [smem:$0x3FFB];
	_ =	sdelay $0x3  }
0x93: {  	_ =	strace s4  }
0x94: {  	s4 =	sld [smem:$0x3FFC];
	_ =	sdelay $0x3  }
0x95: {  	_ =	strace s4  }
0x96: {  	s4 =	sld [smem:$0x3FFD];
	_ =	sdelay $0x3  }
0x97: {  	_ =	strace s4  }
0x98: {  	_ =	strace $0x8FFFFFFF  }
0x99: {  	s19 =	sld [smem:$0x3FDB];
	_ =	sdelay $0x1  }
0x9a: {  	s5 =	simm.s32 $_scs_section_size  }
0x9b: {  	s6 =	simm.s32 $_size__tile_overlayer_lowered;
	s7 =	simm.s32 $_tile_overlayer_lowered  }
0x9c: {  	s22 =	simm.s32 $0x1BFF;
	s21 =	sshll.u32 s7, $0x1;
	s4 =	sadd.s32 s5, s19  }
0x9d: {  	s8 =	simm.s32 $0x0;
	s20 =	sshll.u32 s6, $0x1;
	s6 =	sadd.s32 s21, s4  }
0x9e: {  	[timem:s8], [sflag:s22] =	dma.local [hbm:s6], s20  }
0x9f: {  	_ =	swait.ge [sflag:s22], s20  }
0xa0: {  	s5 =	ssub.s32 $0x0, s20;
	[sflag:s22] =	ssyncset.done $0x0  }
0xa1: {  	[sflag:s22] =	ssyncadd.s32 s5;
	_ =	sdelay $0x1  }
0xa2: {  	s23 =	simm.s32 $0x1B8B  }
0xa3: {  	_ =	swait.ge [sflag:s23], $0x1  }
0xa4: {  	[sflag:s23] =	ssyncset.done $0x0  }
0xa5: {  	s25 =	simm.s32 $0x1B8E;
	s24 =	sld [smem:$0x3FFE];
	[sflag:s23] =	ssyncadd.s32 $0xFFFFFFFF  }
0xa6: {  	s26 =	simm.s32 $execute0_lowered;
	[smem:$0x3FD2] =	sst s25  }
0xa7: {  	s6 =	sshll.u32 s26, $0x1;
	_ =	strace $0x80000046;
	[dreg:$0x1] =	wrdreg $0xFFFFFFFF  }
0xa8: {  	s28 =	simm.s32 $_size_execute0_lowered;
	s4 =	sadd.s32 s4, s6;
	[dreg:$0x0] =	wrdreg $0x0  }
0xa9: {  	s6 =	sshll.u32 s28, $0x1;
	[dreg:$0x2] =	wrdreg s4  }
0xaa: {  	[dreg:$0x3] =	wrdreg s6  }
0xab: {  	[dreg:$0x4] =	wrdreg $0xC0  }
0xac: {  	_ =	task [dreg:s8], $0x5FFFF  }
0xad: {  	[dreg:$0x1] =	wrdreg $0xFFFFFFFF  }
0xae: {  	[dreg:$0x0] =	wrdreg $0x60  }
0xaf: {  	[dreg:$0x2] =	wrdreg s18  }
0xb0: {  	[dreg:$0x3] =	wrdreg s2  }
0xb1: {  	[dreg:$0x4] =	wrdreg s24  }
0xb2: {  	[dreg:$0x5] =	wrdreg $0x9  }
0xb3: {  	_ =	task.clear_ibuf [dreg:s8], $0x6FFFF;
	_ =	strace $0x90000046  }
0xb4: {  	s29 =	simm.s32 $0x9;
	_ =	strace $0x80000048  }
0xb5: {  	_ =	swait.ge [sflag:s29], $0x1  }
0xb6: {  	[sflag:s29] =	ssyncadd.s32 $0xFFFFFFFF  }
0xb7: {  	_ =	strace $0x90000048  }
0xb8: {  	_ =	sfence  }
0xb9: {  	s30 =	sld [smem:$0x0];
	_ =	sdelay $0x2  }
0xba: {  	s31 =	sshll.u32 s1, $0xD;
	s1 =	sshrl.u32 s1, $0x2  }
0xbb: {  	s3 =	sand.u32 $0x4000, s31;
	s1 =	sadd.s32 s1, s30  }
0xbc: {  	s0 =	sor.u32 s3, s0;
	s1 =	sshll.u32 s1, $0x11  }
0xbd: {  	s0 =	sor.u32 s1, s0  }
0xbe: {  	s0 =	sadd.s32 $0x8F2B, s0  }
0xbf: {  	[sflag:s0] =	ssyncadd.remote.s32 $0x1  }
0xc0: {  	_ =	sfence.sel $0xFFFF  }
0xc1: {  	[dreg:$0x0] =	wrdreg $0xFFFFFFFF;
	(pc) =	sbr.abs _section_cstart, $3  }
0xc2: {  	[dreg:$0x1] =	wrdreg $0xFFFFFFFF  }
0xc3: {  	_ =	task.clear_ibuf [dreg:s8], $0x2FFFF;
	_ =	strace $0x9FFFFFFF  }
0xc4: {  	(tm) =	ssettm $0x7FFFFFFF  }
0xc5: {  	_ =	shalt  }
tec
execute0_lowered:
.L_overlay_start_1:
0x0: {  	(tag) =	ssettag $0x1  }
0x1: {  	s1 =	srdreg.scid  }
0x2: {  	s0 =	stileid.u32;
	s5 =	sand.u32 $0x1, s1  }
0x3: {  	s1 =	sor.u32 s5, s0  }
0x4: {  	p1 =	seq.s32 s5, $0x1;
	p0 =	seq.s32 s1, $0x0  }
0x5: {  	p0 =	por !p0, !p1  }
0x6: {  	s1 =	simm.s32 $0x1;
	p0 =	por !p0, !p0  }
0x7: {  	s1 =	simm.s32 @!p0 $0x0  }
0x8: {  	s2 =	rddreg [dreg:$0x0];
	s30 =	ssub.s32 $0x2, s5;
	s7 =	ssub.s32 s0, s1  }
0x9: {  	s8 =	sshll.u32 s5, $0x9;
	s31 =	sshrl.u32 s30, $0x1;
	s9 =	sshll.u32 s7, $0xA  }
0xa: {  	s6 =	rddreg [dreg:$0x1];
	s8 =	sor.u32 s8, s9;
	s9 =	ssub.s32 s30, s31  }
0xb: {  	s4 =	rddreg [dreg:$0x2];
	s9 =	smax.u32 s9, $0x1  }
0xc: {  	s3 =	simm.s32 $0x0;
	s7 =	smul.u32 $0x186A0, s7;
	p1 =	sne.s32 s9, $0x1  }
.Ltmp0:
0xd: {  	[smem:$0x7FF] =	sst s3;
	(pc) =	sbr.rel @!p1 .LBB2_3-.Ltmp0, $4  }
0xe: {  	s5 =	sshll.u32 s5, $0x6;
	p0 =	por $0x0, $0x0;
	s1 =	rddreg [dreg:$0x3]  }
0xf: {  	_ =	strace $0x80000047;
	s8 =	sshrl.u32 s8, $0x3;
	v0 =	vmov s7;
	s7 =	simm.s32 $0x200  }
0x10: {  	s10 =	sadd.s32 s8, s4;
	s4 =	simm.s32 $0x1;
	s8 =	sadd.s32 s6, s5  }
0x11: {  	s5 =	simm.s32 $0x2;
	s9 =	sadd.s32 $0xFFFFFFFF, s9;
	s6 =	sadd.s32 $0xE00, s10  }
0x12: {  	[tilespmem:s3], [sflag:$0x2] =	stream.linear.gather [hbm4b:s8+s3], $0x200, $0x38;
	[tilespmem:$0x400] =	vst v63  }
0x13: {  	_ =	swait.ge [sflag:s5], $0x200  }
0x14: {  	[sflag:s5] =	ssyncset.done $0x0  }
0x15: {  	[sflag:s5] =	ssyncadd.s32 $0xFFFFFE00  }
0x16: {  	v1 =	vld [tilespmem:$0x50]  }
0x17: {  	v2 =	vld [tilespmem:$0x40]  }
0x18: {  	v3 =	vld [tilespmem:$0x1A0]  }
0x19: {  	v4 =	vld [tilespmem:$0x60]  }
0x1a: {  	v5 =	vld [tilespmem:$0xF0]  }
0x1b: {  	v7 =	vld [tilespmem:$0x0]  }
0x1c: {  	v8 =	vld [tilespmem:$0x70];
	v2 =	vadd.s32 v0, v2  }
0x1d: {  	v6 =	vld [tilespmem:$0x160];
	v1 =	vadd.s32 v0, v1;
	[tilespmem:$0x40] =	vst v2  }
0x1e: {  	v2 =	vadd.s32 v0, v3;
	[tilespmem:$0x50] =	vst v1;
	v1 =	vld [tilespmem:$0xA0]  }
0x1f: {  	v4 =	vadd.s32 v0, v4;
	[tilespmem:$0x1A0] =	vst v2;
	v2 =	vld [tilespmem:$0x90]  }
0x20: {  	v5 =	vadd.s32 v0, v5;
	[tilespmem:$0x60] =	vst v4;
	v4 =	vadd.s32 v0, v7;
	v7 =	vld [tilespmem:$0x10]  }
0x21: {  	v9 =	vld [tilespmem:$0xD0];
	v8 =	vadd.s32 v0, v8;
	[tilespmem:$0xF0] =	vst v5  }
0x22: {  	v3 =	vld [tilespmem:$0x80];
	[tilespmem:$0x70] =	vst v8  }
0x23: {  	v6 =	vadd.s32 v0, v6;
	[tilespmem:$0x0] =	vst v4;
	v4 =	vld [tilespmem:$0xE0]  }
0x24: {  	v5 =	vld [tilespmem:$0xB0];
	[tilespmem:$0x160] =	vst v6;
	v2 =	vadd.s32 v0, v2  }
0x25: {  	v1 =	vadd.s32 v0, v1;
	[tilespmem:$0x90] =	vst v2;
	v2 =	vadd.s32 v0, v7;
	v7 =	vld [tilespmem:$0x20]  }
0x26: {  	v63 =	vld [tilespmem:$0x1B0];
	[tilespmem:$0xA0] =	vst v1  }
0x27: {  	v3 =	vadd.s32 v0, v3;
	[tilespmem:$0x10] =	vst v2;
	v2 =	vld [tilespmem:$0xC0]  }
0x28: {  	v4 =	vadd.s32 v0, v4;
	[tilespmem:$0x80] =	vst v3;
	v3 =	vld [tilespmem:$0x120]  }
0x29: {  	v5 =	vadd.s32 v0, v5;
	[tilespmem:$0xE0] =	vst v4;
	v4 =	vld [tilespmem:$0x130]  }
0x2a: {  	[tilespmem:$0xB0] =	vst v5;
	v5 =	vld [tilespmem:$0x140];
	v6 =	vadd.s32 v0, v7  }
0x2b: {  	v7 =	vadd.s32 v0, v9;
	[tilespmem:$0x20] =	vst v6;
	v6 =	vld [tilespmem:$0x30]  }
0x2c: {  	v2 =	vadd.s32 v0, v2;
	[tilespmem:$0xD0] =	vst v7;
	v7 =	vld [tilespmem:$0x150]  }
0x2d: {  	[tilespmem:$0xC0] =	vst v2;
	v2 =	vadd.s32 v0, v3;
	v3 =	vld [tilespmem:$0x170]  }
0x2e: {  	[tilespmem:$0x120] =	vst v2;
	v2 =	vadd.s32 v0, v4;
	v4 =	vld [tilespmem:$0x180]  }
0x2f: {  	v1 =	vld [tilespmem:$0x110];
	[tilespmem:$0x130] =	vst v2;
	v2 =	vadd.s32 v0, v5  }
0x30: {  	v5 =	vld [tilespmem:$0x190];
	[tilespmem:$0x140] =	vst v2;
	v6 =	vadd.s32 v0, v6  }
0x31: {  	v8 =	vld [tilespmem:$0x100];
	v2 =	vadd.s32 v0, v7;
	[tilespmem:$0x30] =	vst v6  }
0x32: {  	p1 =	sne.s32 s9, $0x1;
	v6 =	vld [tilespmem:$0x1C0];
	[tilespmem:$0x150] =	vst v2;
	v2 =	vadd.s32 v0, v3  }
.Ltmp1:
0x33: {  	[tilespmem:$0x170] =	vst v2;
	v3 =	vadd.s32 v0, v4;
	v2 =	vld [tilespmem:$0x1D0];
	(pc) =	sbr.rel @!p1 .LBB2_3-.Ltmp1, $4  }
0x34: {  	[tilespmem:$0x180] =	vst v3;
	v3 =	vld [tilespmem:$0x1E0]  }
0x35: {  	v7 =	vadd.s32 v0, v1;
	v4 =	vadd.s32 v0, v5;
	v5 =	vld [tilespmem:$0x1F0]  }
0x36: {  	[tilespmem:$0x110] =	vst v7  }
0x37: {  	s9 =	sadd.s32 $0xFFFFFFFF, s9;
	p0 =	por $0x1, $0x1;
	v1 =	vadd.s32 v0, v8;
	[tilespmem:$0x190] =	vst v4;
	v4 =	vadd.s32 v0, v63;
	v6 =	vadd.s32 v0, v6  }
.LBB2_2:
0x38: {  	p1 =	sne.s32 s9, $0x1;
	s9 =	sadd.s32 $0xFFFFFFFF, s9;
	[tilespmem:$0x1C0] =	vst v6  }
0x39: {  	[tilespmem:$0x100] =	vst v1;
	v1 =	vadd.s32 v0, v3  }
0x3a: {  	v2 =	vadd.s32 v0, v2;
	[tilespmem:$0x1E0] =	vst v1;
	v1 =	vadd.s32 v0, v5  }
0x3b: {  	[tilespmem:$0x1F0] =	vst v1  }
0x3c: {  	[tilespmem:$0x1B0] =	vst v4  }
0x3d: {  	[tilespmem:$0x1D0] =	vst v2  }
0x3e: {  	[tilespmem:s7], [sflag:$0x1] =	stream.indirect.gather [hbm4b:s2+s7], $0x1, s3, s7, $0xb8;
	[tilespmem:$0x400] =	vst v63  }
0x3f: {  	_ =	swait.ge [sflag:s4], $0x200  }
0x40: {  	[sflag:s4] =	ssyncset.done $0x0  }
0x41: {  	[sflag:s4] =	ssyncadd.s32 $0xFFFFFE00  }
0x42: {  	[hbm4b:s6+s3] =	stream.linear.scatter [tilespmem:s7], [sflag:$0x2], $0x200, $0x38;
	[tilespmem:$0x400] =	vst v63  }
0x43: {  	_ =	swait.ge [sflag:s5], $0x200  }
0x44: {  	[sflag:s5] =	ssyncset.done $0x0  }
0x45: {  	[sflag:s5] =	ssyncadd.s32 $0xFFFFFE00  }
0x46: {  	[tilespmem:s3], [sflag:$0x2] =	stream.linear.gather [hbm4b:s8+s3], $0x200, $0x38;
	[tilespmem:$0x400] =	vst v63  }
0x47: {  	_ =	swait.ge [sflag:s5], $0x200  }
0x48: {  	[sflag:s5] =	ssyncset.done $0x0  }
0x49: {  	[sflag:s5] =	ssyncadd.s32 $0xFFFFFE00  }
0x4a: {  	v1 =	vld [tilespmem:$0x50]  }
0x4b: {  	v2 =	vld [tilespmem:$0x40]  }
0x4c: {  	v3 =	vld [tilespmem:$0x1A0]  }
0x4d: {  	v4 =	vld [tilespmem:$0x60]  }
0x4e: {  	v5 =	vld [tilespmem:$0xF0]  }
0x4f: {  	v6 =	vld [tilespmem:$0x160]  }
0x50: {  	v7 =	vld [tilespmem:$0x0];
	v2 =	vadd.s32 v0, v2  }
0x51: {  	v1 =	vadd.s32 v0, v1;
	[tilespmem:$0x40] =	vst v2;
	v2 =	vld [tilespmem:$0x70];
	v3 =	vadd.s32 v0, v3  }
0x52: {  	v4 =	vadd.s32 v0, v4;
	v8 =	vld [tilespmem:$0x80];
	[tilespmem:$0x1A0] =	vst v3  }
0x53: {  	[tilespmem:$0x50] =	vst v1;
	v1 =	vld [tilespmem:$0x90];
	v3 =	vadd.s32 v0, v5  }
0x54: {  	[tilespmem:$0x60] =	vst v4;
	v4 =	vld [tilespmem:$0xA0];
	v5 =	vadd.s32 v0, v6  }
0x55: {  	v6 =	vadd.s32 v0, v7;
	v7 =	vld [tilespmem:$0x10]  }
0x56: {  	[tilespmem:$0x0] =	vst v6;
	v2 =	vadd.s32 v0, v2;
	v6 =	vld [tilespmem:$0xE0]  }
0x57: {  	v8 =	vadd.s32 v0, v8;
	v9 =	vld [tilespmem:$0xD0];
	[tilespmem:$0xF0] =	vst v3  }
0x58: {  	[tilespmem:$0x70] =	vst v2;
	v1 =	vadd.s32 v0, v1;
	v2 =	vld [tilespmem:$0xB0]  }
0x59: {  	[tilespmem:$0x90] =	vst v1;
	v1 =	vadd.s32 v0, v4;
	v3 =	vld [tilespmem:$0x100]  }
0x5a: {  	v4 =	vadd.s32 v0, v7;
	v7 =	vld [tilespmem:$0x20];
	[tilespmem:$0x160] =	vst v5  }
0x5b: {  	[tilespmem:$0x10] =	vst v4;
	v4 =	vld [tilespmem:$0xC0];
	v5 =	vadd.s32 v0, v6  }
0x5c: {  	[tilespmem:$0xA0] =	vst v1;
	v6 =	vadd.s32 v0, v9;
	v9 =	vld [tilespmem:$0x110]  }
0x5d: {  	[tilespmem:$0x80] =	vst v8;
	v2 =	vadd.s32 v0, v2;
	v8 =	vld [tilespmem:$0x120]  }
0x5e: {  	[tilespmem:$0xE0] =	vst v5;
	v1 =	vadd.s32 v0, v3;
	v3 =	vld [tilespmem:$0x130]  }
0x5f: {  	v5 =	vadd.s32 v0, v7;
	[tilespmem:$0xB0] =	vst v2;
	v2 =	vld [tilespmem:$0x140]  }
0x60: {  	[tilespmem:$0x20] =	vst v5;
	v5 =	vld [tilespmem:$0x30];
	v4 =	vadd.s32 v0, v4  }
0x61: {  	[tilespmem:$0xD0] =	vst v6;
	v6 =	vadd.s32 v0, v9;
	v7 =	vld [tilespmem:$0x150]  }
0x62: {  	[tilespmem:$0xC0] =	vst v4;
	v4 =	vadd.s32 v0, v8;
	v8 =	vld [tilespmem:$0x170]  }
0x63: {  	[tilespmem:$0x120] =	vst v4;
	v3 =	vadd.s32 v0, v3;
	v4 =	vld [tilespmem:$0x180]  }
0x64: {  	[tilespmem:$0x130] =	vst v3;
	v2 =	vadd.s32 v0, v2;
	v9 =	vld [tilespmem:$0x190]  }
0x65: {  	v3 =	vadd.s32 v0, v5;
	[tilespmem:$0x140] =	vst v2;
	v10 =	vld [tilespmem:$0x1B0]  }
0x66: {  	[tilespmem:$0x30] =	vst v3;
	v2 =	vadd.s32 v0, v7;
	v7 =	vld [tilespmem:$0x1C0]  }
.Ltmp2:
0x67: {  	[tilespmem:$0x150] =	vst v2;
	v3 =	vadd.s32 v0, v8;
	v2 =	vld [tilespmem:$0x1D0];
	(pc) =	sbr.rel @p1 .LBB2_2-.Ltmp2, $4  }
0x68: {  	[tilespmem:$0x170] =	vst v3;
	v4 =	vadd.s32 v0, v4;
	v3 =	vld [tilespmem:$0x1E0]  }
0x69: {  	[tilespmem:$0x180] =	vst v4;
	v4 =	vadd.s32 v0, v9;
	v5 =	vld [tilespmem:$0x1F0]  }
0x6a: {  	[tilespmem:$0x190] =	vst v4;
	v4 =	vadd.s32 v0, v10  }
0x6b: {  	[tilespmem:$0x110] =	vst v6;
	v6 =	vadd.s32 v0, v7  }
.LBB2_3:
0x6c: {  	[tilespmem:$0x1C0] =	vst @p0 v6  }
0x6d: {  	[tilespmem:$0x100] =	vst @p0 v1  }
0x6e: {  	[tilespmem:$0x1B0] =	vst @p0 v4;
	v1 =	vadd.s32 @p0 v0, v3  }
0x6f: {  	[tilespmem:$0x1E0] =	vst @p0 v1;
	v1 =	vadd.s32 @p0 v0, v5  }
0x70: {  	[tilespmem:$0x1F0] =	vst @p0 v1;
	v1 =	vadd.s32 @p0 v0, v2  }
0x71: {  	[tilespmem:$0x1D0] =	vst @p0 v1  }
0x72: {  	[tilespmem:s7], [sflag:$0x1] =	stream.indirect.gather @p0 [hbm4b:s2+s7], $0x1, s3, s7, $0xb8;
	[tilespmem:$0x400] =	vst v63  }
0x73: {  	_ =	swait.ge @p0 [sflag:s4], $0x200  }
0x74: {  	[sflag:s4] =	ssyncset.done @p0 $0x0  }
0x75: {  	[sflag:s4] =	ssyncadd.s32 @p0 $0xFFFFFE00  }
0x76: {  	[hbm4b:s6+s3] =	stream.linear.scatter @p0 [tilespmem:s7], [sflag:$0x2], $0x200, $0x38;
	[tilespmem:$0x400] =	vst v63  }
0x77: {  	_ =	swait.ge @p0 [sflag:s5], $0x200  }
0x78: {  	[sflag:s5] =	ssyncset.done @p0 $0x0  }
0x79: {  	[sflag:s5] =	ssyncadd.s32 @p0 $0xFFFFFE00  }
0x7a: {  	[tilespmem:s3], [sflag:$0x2] =	stream.linear.gather [hbm4b:s8+s3], $0x200, $0x38;
	[tilespmem:$0x400] =	vst v63  }
0x7b: {  	_ =	swait.ge [sflag:s5], $0x200  }
0x7c: {  	[sflag:s5] =	ssyncset.done $0x0  }
0x7d: {  	[sflag:s5] =	ssyncadd.s32 $0xFFFFFE00  }
0x7e: {  	v15 =	vld [tilespmem:$0x40]  }
0x7f: {  	v16 =	vld [tilespmem:$0x1A0]  }
0x80: {  	v17 =	vld [tilespmem:$0x50]  }
0x81: {  	v18 =	vld [tilespmem:$0x60]  }
0x82: {  	v19 =	vld [tilespmem:$0x0]  }
0x83: {  	v20 =	vld [tilespmem:$0xF0];
	v1 =	vadd.s32 v0, v15  }
0x84: {  	v22 =	vld [tilespmem:$0x90];
	v2 =	vadd.s32 v0, v16;
	[tilespmem:$0x40] =	vst v1  }
0x85: {  	v7 =	vld [tilespmem:$0x160];
	v3 =	vadd.s32 v0, v17;
	[tilespmem:$0x1A0] =	vst v2  }
0x86: {  	v24 =	vld [tilespmem:$0x10];
	v4 =	vadd.s32 v0, v18;
	[tilespmem:$0x50] =	vst v3  }
0x87: {  	v26 =	vld [tilespmem:$0xA0];
	v23 =	vadd.s32 v0, v19;
	[tilespmem:$0x60] =	vst v4  }
0x88: {  	v27 =	vld [tilespmem:$0x80];
	v25 =	vadd.s32 v0, v20;
	[tilespmem:$0x0] =	vst v23  }
0x89: {  	v28 =	vld [tilespmem:$0xE0];
	v29 =	vadd.s32 v0, v22;
	[tilespmem:$0xF0] =	vst v25  }
0x8a: {  	v31 =	vld [tilespmem:$0xB0];
	v30 =	vadd.s32 v0, v7;
	[tilespmem:$0x90] =	vst v29  }
0x8b: {  	v39 =	vld [tilespmem:$0x130];
	v32 =	vadd.s32 v0, v24;
	[tilespmem:$0x160] =	vst v30  }
0x8c: {  	v40 =	vld [tilespmem:$0x140];
	v6 =	vadd.s32 v0, v26;
	[tilespmem:$0x10] =	vst v32  }
0x8d: {  	v42 =	vld [tilespmem:$0x150];
	v35 =	vadd.s32 v0, v27;
	[tilespmem:$0xA0] =	vst v6  }
0x8e: {  	v43 =	vld [tilespmem:$0x170];
	v5 =	vadd.s32 v0, v28;
	[tilespmem:$0x80] =	vst v35  }
0x8f: {  	v45 =	vld [tilespmem:$0x180];
	v38 =	vadd.s32 v0, v31;
	[tilespmem:$0xE0] =	vst v5  }
0x90: {  	v47 =	vld [tilespmem:$0x190];
	v44 =	vadd.s32 v0, v39;
	[tilespmem:$0xB0] =	vst v38  }
0x91: {  	v48 =	vld [tilespmem:$0x110];
	v46 =	vadd.s32 v0, v40;
	[tilespmem:$0x130] =	vst v44  }
0x92: {  	v54 =	vld [tilespmem:$0x1E0];
	v49 =	vadd.s32 v0, v42;
	[tilespmem:$0x140] =	vst v46  }
0x93: {  	v56 =	vld [tilespmem:$0x1F0];
	v52 =	vadd.s32 v0, v43;
	[tilespmem:$0x150] =	vst v49  }
0x94: {  	v58 =	vld [tilespmem:$0x1B0];
	v53 =	vadd.s32 v0, v45;
	[tilespmem:$0x170] =	vst v52  }
0x95: {  	v59 =	vld [tilespmem:$0x1D0];
	v55 =	vadd.s32 v0, v47;
	[tilespmem:$0x180] =	vst v53  }
0x96: {  	v21 =	vld [tilespmem:$0x70];
	v57 =	vadd.s32 v0, v48;
	[tilespmem:$0x190] =	vst v55  }
0x97: {  	v33 =	vld [tilespmem:$0x20];
	v60 =	vadd.s32 v0, v54;
	[tilespmem:$0x110] =	vst v57  }
0x98: {  	v34 =	vld [tilespmem:$0xD0];
	v61 =	vadd.s32 v0, v56;
	[tilespmem:$0x1E0] =	vst v60  }
0x99: {  	v36 =	vld [tilespmem:$0xC0];
	v62 =	vadd.s32 v0, v58;
	[tilespmem:$0x1F0] =	vst v61  }
0x9a: {  	v37 =	vld [tilespmem:$0x120];
	v63 =	vadd.s32 v0, v59;
	[tilespmem:$0x1B0] =	vst v62  }
0x9b: {  	v41 =	vld [tilespmem:$0x30];
	v1 =	vadd.s32 v0, v21;
	[tilespmem:$0x1D0] =	vst v63  }
0x9c: {  	v50 =	vld [tilespmem:$0x1C0];
	v4 =	vadd.s32 v0, v33;
	[tilespmem:$0x70] =	vst v1  }
0x9d: {  	v51 =	vld [tilespmem:$0x100];
	v2 =	vadd.s32 v0, v34;
	[tilespmem:$0x20] =	vst v4  }
0x9e: {  	v3 =	vadd.s32 v0, v36;
	[tilespmem:$0xD0] =	vst v2  }
0x9f: {  	[tilespmem:$0xC0] =	vst v3;
	v1 =	vadd.s32 v0, v37  }
0xa0: {  	v4 =	vadd.s32 v0, v41;
	[tilespmem:$0x120] =	vst v1  }
0xa1: {  	v2 =	vadd.s32 v0, v50;
	[tilespmem:$0x30] =	vst v4  }
0xa2: {  	v4 =	vadd.s32 v0, v51;
	[tilespmem:$0x1C0] =	vst v2  }
0xa3: {  	[tilespmem:$0x100] =	vst v4  }
0xa4: {  	[tilespmem:s7], [sflag:$0x1] =	stream.indirect.gather [hbm4b:s2+s7], $0x1, s3, s7, $0xb8;
	[tilespmem:$0x400] =	vst v63  }
0xa5: {  	_ =	swait.ge [sflag:s4], $0x200  }
0xa6: {  	[sflag:s4] =	ssyncset.done $0x0  }
0xa7: {  	[sflag:s4] =	ssyncadd.s32 $0xFFFFFE00  }
0xa8: {  	[hbm4b:s6+s3] =	stream.linear.scatter [tilespmem:s7], [sflag:$0x2], $0x200, $0x38;
	[tilespmem:$0x400] =	vst v63  }
0xa9: {  	_ =	swait.ge [sflag:s5], $0x200  }
0xaa: {  	[sflag:s5] =	ssyncset.done $0x0  }
0xab: {  	[sflag:s5] =	ssyncadd.s32 $0xFFFFFE00  }
0xac: {  	_ =	sfence.sel $0x180000  }
0xad: {  	[bflag:$0x0] =	sbarrier.arrive $0xFFFF  }
0xae: {  	p0 =	sne.s32 s0, $0x0;
	_ =	strace $0x90000047  }
0xaf: {  	s0 =	sadd.s32 @!p0 $0x100000, s1;
	[bflag:$0x2] =	sbarrier.arrive $0xFFFF  }
0xb0: {  	[sflag:s0] =	ssyncadd.tile.s32 @!p0 $0x1;
	_ =	shalt  }
.Lfunc_end2:
_tile_overlayer_lowered:
.L_overlay_start_2:
0xb1: {  	(tag) =	ssettag $0x2  }
0xb2: {  	s0 =	rddreg [dreg:$0x0];
	s2 =	stileid.u32  }
0xb3: {  	s1 =	rddreg [dreg:$0x1];
	p0 =	sne.s32 s2, $0x0  }
0xb4: {  	s3 =	rddreg [dreg:$0x2];
	[bflag:$0x3] =	sbarrier.arrive $0xFFFF;
	s2 =	simm.s32 @!p0 $0x1C02  }
0xb5: {  	[timem:s3], [sflag:s2] =	dma.local @!p0 [hbm:s0], s1  }
0xb6: {  	s0 =	simm.s32 @!p0 $0x2  }
0xb7: {  	_ =	swait.ge @!p0 [sflag:s0], s1  }
0xb8: {  	s1 =	ssub.s32 @!p0 $0x0, s1;
	[sflag:s0] =	ssyncset.done @!p0 $0x0  }
0xb9: {  	[sflag:s0] =	ssyncadd.s32 @!p0 s1  }
0xba: {  	[bflag:$0x3] =	sbarrier.arrive $0xFFFF  }
0xbb: {  	_ =	shalt  }

</sc_bundles>
